<compile_context>
chip_gen: v7x
topology: tpu7x:2x2x1
jax: 0.10.2.dev20260603
libtpu: 0.0.44.dev20260713+nightly
codegen_flags: <defaults>
</compile_context>

<pallas_src>
import jax
import jax.numpy as jnp
from jax import lax
from jax.experimental import pallas as pl
from jax.experimental.pallas import tpu as pltpu
from jax.experimental.pallas import tpu_sc as plsc

_LANES = 16


def _mask_body(ones_hbm, idx_hbm, out_hbm, idx_v, mask_v):
    n_pad = idx_v.shape[0]

    @pl.when(jnp.logical_and(lax.axis_index("c") == 0, lax.axis_index("s") == 0))
    def _():
        pltpu.sync_copy(idx_hbm, idx_v)
        pltpu.sync_copy(ones_hbm, mask_v)
        zeros = jnp.zeros((_LANES,), jnp.float32)
        for j in range(n_pad // _LANES):
            idx = idx_v[pl.ds(j * _LANES, _LANES)]
            plsc.store_scatter(mask_v, [idx], zeros)
        pltpu.sync_copy(mask_v, out_hbm)


def _build_mask_sc(idx_padded, n_cols):
    n_pad = idx_padded.shape[0]
    mesh = plsc.VectorSubcoreMesh(
        core_axis_name="c", subcore_axis_name="s", num_cores=2, num_subcores=16
    )
    k = pl.kernel(
        _mask_body,
        out_type=jax.ShapeDtypeStruct((n_cols,), jnp.float32),
        mesh=mesh,
        scratch_types=[
            pltpu.VMEM((n_pad,), jnp.int32),
            pltpu.VMEM((n_cols,), jnp.float32),
        ],
        compiler_params=pltpu.CompilerParams(needs_layout_passes=False),
    )
    return k(jnp.ones((n_cols,), jnp.float32), idx_padded)


def _mul_body(x_ref, m_ref, o_ref):
    o_ref[...] = x_ref[...] * m_ref[...]


_BM = 512


def kernel(x, mask_indices):
    m, n = x.shape
    n_idx = mask_indices.shape[0]
    n_pad = -(-n_idx // _LANES) * _LANES
    if n_pad != n_idx:
        pad = jnp.broadcast_to(mask_indices[0], (n_pad - n_idx,))
        idx_padded = jnp.concatenate([mask_indices, pad])
    else:
        idx_padded = mask_indices
    mask = _build_mask_sc(idx_padded, n)

    out = pl.pallas_call(
        _mul_body,
        grid=(m // _BM,),
        in_specs=[
            pl.BlockSpec((_BM, n), lambda i: (i, 0)),
            pl.BlockSpec((1, n), lambda i: (0, 0)),
        ],
        out_specs=pl.BlockSpec((_BM, n), lambda i: (i, 0)),
        out_shape=jax.ShapeDtypeStruct((m, n), x.dtype),
    )(x, mask.reshape(1, n))
    return out

# --- scband reference (transcript-rebuilt; emitter-appended) ---
"""Pipeline reference for scband-random-masking-50105088475680 (READ-ONLY COPY).

The authoritative reference and input builder live on the scoring server;
editing this copy changes nothing except your own understanding.
"""

import jax, jax.numpy as jnp
import numpy as np


def setup_inputs(seed: int = 0) -> dict:
    key = jax.random.key(seed)
    k1, k2 = jax.random.split(key)
    x = jax.random.normal(k1, (16384, 4096), dtype=jnp.float32)
    # The torch module draws mask_ratio ~ U(0, 0.2) and samples column indices at runtime.
    # For a deterministic reference we materialize a fixed draw: num_mask = int(0.1 * 4096) = 409.
    mask_indices = jax.random.randint(k2, (409,), 0, 4096, dtype=jnp.int32)
    return {"x": x, "mask_indices": mask_indices}


def reference(x, mask_indices):
    # Faithful translation of: x[:, mask_indices] = 0
    # Scatter-overwrite along the last dimension. Duplicates in mask_indices are
    # harmless since the overwrite value (0) is identical.
    return x.at[:, mask_indices].set(0.0)

if __name__ == "__main__":
    import jax
    _d = setup_inputs()
    print(jax.jit(kernel)(*tuple(_d.values())))

</pallas_src>

<mosaic_0001>
#map = affine_map<(d0, d1) -> (0)>
module attributes {stable_mosaic.version = 14 : i64} {
  func.func @_mask_body(%arg0: i32, %arg1: i32, %arg2: memref<4096xf32, #tpu.memory_space<hbm>>, %arg3: memref<416xi32, #tpu.memory_space<hbm>>, %arg4: memref<4096xf32, #tpu.memory_space<hbm>>, %arg5: memref<416xi32, #tpu.memory_space<vmem>>, %arg6: memref<4096xf32, #tpu.memory_space<vmem>>) attributes {dimension_semantics = [#tpu.dimension_semantics<core_parallel>, #tpu.dimension_semantics<subcore_parallel>], iteration_bounds = array<i64: 2, 16>, scalar_prefetch = 0 : i64, scratch_operands = 2 : i64, tpu.core_type = #tpu.core_type<sc_vector_subcore>, window_params = [{transform_indices = #map}, {transform_indices = #map}, {transform_indices = #map}]} {
    %eq3A = arith.constant 0 : i32
    %eq3A_0 = arith.cmpi eq, %arg0, %eq3A : i32
    %eq3A_1 = arith.constant 0 : i32
    %eq3A_2 = arith.cmpi eq, %arg1, %eq3A_1 : i32
    %and3A = arith.andi %eq3A_0, %eq3A_2 : i1
    %convert_element_type3A = arith.extui %and3A : i1 to i32
    %cond3A = arith.constant 0 : i32
    %cond3A_3 = arith.cmpi ne, %convert_element_type3A, %cond3A : i32
    scf.if %cond3A_3 {
      "tpu.region"() ({
        %run_scoped3A = tpu.sem_alloc : memref<!tpu.dma_semaphore, #tpu.memory_space<semaphore_mem>>
        tpu.enqueue_dma source(%arg3 : memref<416xi32, #tpu.memory_space<hbm>>) target(%arg5 : memref<416xi32, #tpu.memory_space<vmem>>) target_semaphore(%run_scoped3A : memref<!tpu.dma_semaphore, #tpu.memory_space<semaphore_mem>>)
        tpu.wait_dma2 semaphore(%run_scoped3A : memref<!tpu.dma_semaphore, #tpu.memory_space<semaphore_mem>>) src(%arg3 : memref<416xi32, #tpu.memory_space<hbm>>) dst(%arg5 : memref<416xi32, #tpu.memory_space<vmem>>)
        tpu.yield
      }) : () -> ()
      "tpu.region"() ({
        %run_scoped3A = tpu.sem_alloc : memref<!tpu.dma_semaphore, #tpu.memory_space<semaphore_mem>>
        tpu.enqueue_dma source(%arg2 : memref<4096xf32, #tpu.memory_space<hbm>>) target(%arg6 : memref<4096xf32, #tpu.memory_space<vmem>>) target_semaphore(%run_scoped3A : memref<!tpu.dma_semaphore, #tpu.memory_space<semaphore_mem>>)
        tpu.wait_dma2 semaphore(%run_scoped3A : memref<!tpu.dma_semaphore, #tpu.memory_space<semaphore_mem>>) src(%arg2 : memref<4096xf32, #tpu.memory_space<hbm>>) dst(%arg6 : memref<4096xf32, #tpu.memory_space<vmem>>)
        tpu.yield
      }) : () -> ()
      %broadcast_in_dim3A = arith.constant 0.000000e+00 : f32
      %broadcast_in_dim3A_4 = vector.broadcast %broadcast_in_dim3A : f32 to vector<16xf32>
      %get3A = arith.constant 0 : index
      %get3A_5 = tpu.vector_load %arg5[%get3A] {strides = array<i32>} : memref<416xi32, #tpu.memory_space<vmem>>, vector<16xi32>,
      tpu.vector_store_idx %arg6[%get3A_5], %broadcast_in_dim3A_4 : memref<4096xf32, #tpu.memory_space<vmem>>[vector<16xi32>], vector<16xf32>,
      %get3A_6 = arith.constant 16 : index
      %get3A_7 = tpu.vector_load %arg5[%get3A_6] {strides = array<i32>} : memref<416xi32, #tpu.memory_space<vmem>>, vector<16xi32>,
      tpu.vector_store_idx %arg6[%get3A_7], %broadcast_in_dim3A_4 : memref<4096xf32, #tpu.memory_space<vmem>>[vector<16xi32>], vector<16xf32>,
      %get3A_8 = arith.constant 32 : index
      %get3A_9 = tpu.vector_load %arg5[%get3A_8] {strides = array<i32>} : memref<416xi32, #tpu.memory_space<vmem>>, vector<16xi32>,
      tpu.vector_store_idx %arg6[%get3A_9], %broadcast_in_dim3A_4 : memref<4096xf32, #tpu.memory_space<vmem>>[vector<16xi32>], vector<16xf32>,
      %get3A_10 = arith.constant 48 : index
      %get3A_11 = tpu.vector_load %arg5[%get3A_10] {strides = array<i32>} : memref<416xi32, #tpu.memory_space<vmem>>, vector<16xi32>,
      tpu.vector_store_idx %arg6[%get3A_11], %broadcast_in_dim3A_4 : memref<4096xf32, #tpu.memory_space<vmem>>[vector<16xi32>], vector<16xf32>,
      %get3A_12 = arith.constant 64 : index
      %get3A_13 = tpu.vector_load %arg5[%get3A_12] {strides = array<i32>} : memref<416xi32, #tpu.memory_space<vmem>>, vector<16xi32>,
      tpu.vector_store_idx %arg6[%get3A_13], %broadcast_in_dim3A_4 : memref<4096xf32, #tpu.memory_space<vmem>>[vector<16xi32>], vector<16xf32>,
      %get3A_14 = arith.constant 80 : index
      %get3A_15 = tpu.vector_load %arg5[%get3A_14] {strides = array<i32>} : memref<416xi32, #tpu.memory_space<vmem>>, vector<16xi32>,
      tpu.vector_store_idx %arg6[%get3A_15], %broadcast_in_dim3A_4 : memref<4096xf32, #tpu.memory_space<vmem>>[vector<16xi32>], vector<16xf32>,
      %get3A_16 = arith.constant 96 : index
      %get3A_17 = tpu.vector_load %arg5[%get3A_16] {strides = array<i32>} : memref<416xi32, #tpu.memory_space<vmem>>, vector<16xi32>,
      tpu.vector_store_idx %arg6[%get3A_17], %broadcast_in_dim3A_4 : memref<4096xf32, #tpu.memory_space<vmem>>[vector<16xi32>], vector<16xf32>,
      %get3A_18 = arith.constant 112 : index
      %get3A_19 = tpu.vector_load %arg5[%get3A_18] {strides = array<i32>} : memref<416xi32, #tpu.memory_space<vmem>>, vector<16xi32>,
      tpu.vector_store_idx %arg6[%get3A_19], %broadcast_in_dim3A_4 : memref<4096xf32, #tpu.memory_space<vmem>>[vector<16xi32>], vector<16xf32>,
      %get3A_20 = arith.constant 128 : index
      %get3A_21 = tpu.vector_load %arg5[%get3A_20] {strides = array<i32>} : memref<416xi32, #tpu.memory_space<vmem>>, vector<16xi32>,
      tpu.vector_store_idx %arg6[%get3A_21], %broadcast_in_dim3A_4 : memref<4096xf32, #tpu.memory_space<vmem>>[vector<16xi32>], vector<16xf32>,
      %get3A_22 = arith.constant 144 : index
      %get3A_23 = tpu.vector_load %arg5[%get3A_22] {strides = array<i32>} : memref<416xi32, #tpu.memory_space<vmem>>, vector<16xi32>,
      tpu.vector_store_idx %arg6[%get3A_23], %broadcast_in_dim3A_4 : memref<4096xf32, #tpu.memory_space<vmem>>[vector<16xi32>], vector<16xf32>,
      %get3A_24 = arith.constant 160 : index
      %get3A_25 = tpu.vector_load %arg5[%get3A_24] {strides = array<i32>} : memref<416xi32, #tpu.memory_space<vmem>>, vector<16xi32>,
      tpu.vector_store_idx %arg6[%get3A_25], %broadcast_in_dim3A_4 : memref<4096xf32, #tpu.memory_space<vmem>>[vector<16xi32>], vector<16xf32>,
      %get3A_26 = arith.constant 176 : index
      %get3A_27 = tpu.vector_load %arg5[%get3A_26] {strides = array<i32>} : memref<416xi32, #tpu.memory_space<vmem>>, vector<16xi32>,
      tpu.vector_store_idx %arg6[%get3A_27], %broadcast_in_dim3A_4 : memref<4096xf32, #tpu.memory_space<vmem>>[vector<16xi32>], vector<16xf32>,
      %get3A_28 = arith.constant 192 : index
      %get3A_29 = tpu.vector_load %arg5[%get3A_28] {strides = array<i32>} : memref<416xi32, #tpu.memory_space<vmem>>, vector<16xi32>,
      tpu.vector_store_idx %arg6[%get3A_29], %broadcast_in_dim3A_4 : memref<4096xf32, #tpu.memory_space<vmem>>[vector<16xi32>], vector<16xf32>,
      %get3A_30 = arith.constant 208 : index
      %get3A_31 = tpu.vector_load %arg5[%get3A_30] {strides = array<i32>} : memref<416xi32, #tpu.memory_space<vmem>>, vector<16xi32>,
      tpu.vector_store_idx %arg6[%get3A_31], %broadcast_in_dim3A_4 : memref<4096xf32, #tpu.memory_space<vmem>>[vector<16xi32>], vector<16xf32>,
      %get3A_32 = arith.constant 224 : index
      %get3A_33 = tpu.vector_load %arg5[%get3A_32] {strides = array<i32>} : memref<416xi32, #tpu.memory_space<vmem>>, vector<16xi32>,
      tpu.vector_store_idx %arg6[%get3A_33], %broadcast_in_dim3A_4 : memref<4096xf32, #tpu.memory_space<vmem>>[vector<16xi32>], vector<16xf32>,
      %get3A_34 = arith.constant 240 : index
      %get3A_35 = tpu.vector_load %arg5[%get3A_34] {strides = array<i32>} : memref<416xi32, #tpu.memory_space<vmem>>, vector<16xi32>,
      tpu.vector_store_idx %arg6[%get3A_35], %broadcast_in_dim3A_4 : memref<4096xf32, #tpu.memory_space<vmem>>[vector<16xi32>], vector<16xf32>,
      %get3A_36 = arith.constant 256 : index
      %get3A_37 = tpu.vector_load %arg5[%get3A_36] {strides = array<i32>} : memref<416xi32, #tpu.memory_space<vmem>>, vector<16xi32>,
      tpu.vector_store_idx %arg6[%get3A_37], %broadcast_in_dim3A_4 : memref<4096xf32, #tpu.memory_space<vmem>>[vector<16xi32>], vector<16xf32>,
      %get3A_38 = arith.constant 272 : index
      %get3A_39 = tpu.vector_load %arg5[%get3A_38] {strides = array<i32>} : memref<416xi32, #tpu.memory_space<vmem>>, vector<16xi32>,
      tpu.vector_store_idx %arg6[%get3A_39], %broadcast_in_dim3A_4 : memref<4096xf32, #tpu.memory_space<vmem>>[vector<16xi32>], vector<16xf32>,
      %get3A_40 = arith.constant 288 : index
      %get3A_41 = tpu.vector_load %arg5[%get3A_40] {strides = array<i32>} : memref<416xi32, #tpu.memory_space<vmem>>, vector<16xi32>,
      tpu.vector_store_idx %arg6[%get3A_41], %broadcast_in_dim3A_4 : memref<4096xf32, #tpu.memory_space<vmem>>[vector<16xi32>], vector<16xf32>,
      %get3A_42 = arith.constant 304 : index
      %get3A_43 = tpu.vector_load %arg5[%get3A_42] {strides = array<i32>} : memref<416xi32, #tpu.memory_space<vmem>>, vector<16xi32>,
      tpu.vector_store_idx %arg6[%get3A_43], %broadcast_in_dim3A_4 : memref<4096xf32, #tpu.memory_space<vmem>>[vector<16xi32>], vector<16xf32>,
      %get3A_44 = arith.constant 320 : index
      %get3A_45 = tpu.vector_load %arg5[%get3A_44] {strides = array<i32>} : memref<416xi32, #tpu.memory_space<vmem>>, vector<16xi32>,
      tpu.vector_store_idx %arg6[%get3A_45], %broadcast_in_dim3A_4 : memref<4096xf32, #tpu.memory_space<vmem>>[vector<16xi32>], vector<16xf32>,
      %get3A_46 = arith.constant 336 : index
      %get3A_47 = tpu.vector_load %arg5[%get3A_46] {strides = array<i32>} : memref<416xi32, #tpu.memory_space<vmem>>, vector<16xi32>,
      tpu.vector_store_idx %arg6[%get3A_47], %broadcast_in_dim3A_4 : memref<4096xf32, #tpu.memory_space<vmem>>[vector<16xi32>], vector<16xf32>,
      %get3A_48 = arith.constant 352 : index
      %get3A_49 = tpu.vector_load %arg5[%get3A_48] {strides = array<i32>} : memref<416xi32, #tpu.memory_space<vmem>>, vector<16xi32>,
      tpu.vector_store_idx %arg6[%get3A_49], %broadcast_in_dim3A_4 : memref<4096xf32, #tpu.memory_space<vmem>>[vector<16xi32>], vector<16xf32>,
      %get3A_50 = arith.constant 368 : index
      %get3A_51 = tpu.vector_load %arg5[%get3A_50] {strides = array<i32>} : memref<416xi32, #tpu.memory_space<vmem>>, vector<16xi32>,
      tpu.vector_store_idx %arg6[%get3A_51], %broadcast_in_dim3A_4 : memref<4096xf32, #tpu.memory_space<vmem>>[vector<16xi32>], vector<16xf32>,
      %get3A_52 = arith.constant 384 : index
      %get3A_53 = tpu.vector_load %arg5[%get3A_52] {strides = array<i32>} : memref<416xi32, #tpu.memory_space<vmem>>, vector<16xi32>,
      tpu.vector_store_idx %arg6[%get3A_53], %broadcast_in_dim3A_4 : memref<4096xf32, #tpu.memory_space<vmem>>[vector<16xi32>], vector<16xf32>,
      %get3A_54 = arith.constant 400 : index
      %get3A_55 = tpu.vector_load %arg5[%get3A_54] {strides = array<i32>} : memref<416xi32, #tpu.memory_space<vmem>>, vector<16xi32>,
      tpu.vector_store_idx %arg6[%get3A_55], %broadcast_in_dim3A_4 : memref<4096xf32, #tpu.memory_space<vmem>>[vector<16xi32>], vector<16xf32>,
      "tpu.region"() ({
        %run_scoped3A = tpu.sem_alloc : memref<!tpu.dma_semaphore, #tpu.memory_space<semaphore_mem>>
        tpu.enqueue_dma source(%arg6 : memref<4096xf32, #tpu.memory_space<vmem>>) target(%arg4 : memref<4096xf32, #tpu.memory_space<hbm>>) target_semaphore(%run_scoped3A : memref<!tpu.dma_semaphore, #tpu.memory_space<semaphore_mem>>)
        tpu.wait_dma2 semaphore(%run_scoped3A : memref<!tpu.dma_semaphore, #tpu.memory_space<semaphore_mem>>) src(%arg6 : memref<4096xf32, #tpu.memory_space<vmem>>) dst(%arg4 : memref<4096xf32, #tpu.memory_space<hbm>>)
        tpu.yield
      }) : () -> ()
    } else {
    }
    return
  }
}

module attributes {stable_mosaic.version = 14 : i64} {
  func.func @_mul_body(%arg0: i32, %arg1: memref<512x4096xf32, #tpu.memory_space<vmem>>, %arg2: memref<1x4096xf32, #tpu.memory_space<vmem>>, %arg3: memref<512x4096xf32, #tpu.memory_space<vmem>>) attributes {dimension_semantics = [#tpu.dimension_semantics<arbitrary>], iteration_bounds = array<i64: 32>, scalar_prefetch = 0 : i64, scratch_operands = 0 : i64, tpu.core_type = #tpu.core_type<tc>, window_params = [{transform_indices = @transform_0, window_bounds = array<i64: 512, 4096>}, {pipeline_mode = #tpu.pipeline_mode<synchronous>, transform_indices = @transform_1, window_bounds = array<i64: 1, 4096>}, {transform_indices = @transform_2, window_bounds = array<i64: 512, 4096>}]} {
    %get3A = arith.constant 0 : index
    %get3A_0 = arith.constant 0 : index
    %get3A_1 = vector.load %arg1[%get3A, %get3A_0] : memref<512x4096xf32, #tpu.memory_space<vmem>>, vector<512x4096xf32>
    %get3A_2 = arith.constant 0 : index
    %get3A_3 = arith.constant 0 : index
    %get3A_4 = vector.load %arg2[%get3A_2, %get3A_3] : memref<1x4096xf32, #tpu.memory_space<vmem>>, vector<1x4096xf32>
    %mul3A = vector.broadcast %get3A_4 : vector<1x4096xf32> to vector<512x4096xf32>
    %mul3A_5 = arith.mulf %get3A_1, %mul3A : vector<512x4096xf32>
    %swap3A = arith.constant 0 : index
    %swap3A_6 = arith.constant 0 : index
    %swap3A_7 = vector.load %arg3[%swap3A, %swap3A_6] : memref<512x4096xf32, #tpu.memory_space<vmem>>, vector<512x4096xf32>
    tpu.vector_store %arg3[%swap3A, %swap3A_6], %mul3A_5 {strides = array<i32>} : memref<512x4096xf32, #tpu.memory_space<vmem>>, vector<512x4096xf32>,
    return
  }
  func.func @transform_0(%arg0: i32) -> (i32, i32) {
    %c0_i32 = arith.constant 0 : i32
    %c0_i32_0 = arith.constant 0 : i32
    return %arg0, %c0_i32 : i32, i32
  }
  func.func @transform_1(%arg0: i32) -> (i32, i32) {
    %c0_i32 = arith.constant 0 : i32
    %c0_i32_0 = arith.constant 0 : i32
    %c0_i32_1 = arith.constant 0 : i32
    return %c0_i32, %c0_i32_0 : i32, i32
  }
  func.func @transform_2(%arg0: i32) -> (i32, i32) {
    %c0_i32 = arith.constant 0 : i32
    %c0_i32_0 = arith.constant 0 : i32
    return %arg0, %c0_i32 : i32, i32
  }
}

</mosaic_0001>

<sc_bundles>
// kernel: kernel.4.cloned.1.call-start
scs
__scs_entry_jumppad:
0x0: {  	(pc) =	sbr.rel $0x88, $3  }
0x1: {  	(tag) =	ssettag $0x0;
	lr =	simm.s32 $0x1  }
0x2: {  	[smem:$0x3F9F] =	sst lr;
	_ =	strace $0xD0000000  }
0x3: {  	_ = 	snop  }
0x4: {  	_ = 	snop  }
0x5: {  	_ = 	snop  }
0x6: {  	_ = 	snop  }
0x7: {  	_ = 	snop  }
__scs_overlays_trampoline_lowered:
0x8: {  	[smem:$0x3FAE] =	sst s0  }
0x9: {  	[smem:$0x3FAF] =	sst s1  }
0xa: {  	[smem:$0x3FB0] =	sst s2  }
0xb: {  	[smem:$0x3FB1] =	sst s3  }
0xc: {  	[smem:$0x3FB2] =	sst s4  }
0xd: {  	[smem:$0x3FB3] =	sst s5  }
0xe: {  	[smem:$0x3FB4] =	sst s6  }
0xf: {  	[smem:$0x3FB5] =	sst s7  }
0x10: {  	[smem:$0x3FB6] =	sst s8  }
0x11: {  	[smem:$0x3FB7] =	sst s9;
	s0 =	simm.s32 @!p0 $0x0  }
0x12: {  	s1 =	sld [smem:$0x3F9D];
	s0 =	simm.s32 @p0 $0x1  }
0x13: {  	[smem:$0x3FB8] =	sst s0;
	s0 =	simm.s32 @!p1 $0x0  }
0x14: {  	s2 =	sld [smem:$0x3F9C];
	s0 =	simm.s32 @p1 $0x1  }
0x15: {  	[smem:$0x3FB9] =	sst s0;
	s0 =	simm.s32 @!p2 $0x0  }
0x16: {  	s3 =	sld [smem:$0x3FDB];
	s0 =	simm.s32 @p2 $0x1  }
0x17: {  	s4 =	simm.s32 $0x1BF5;
	[smem:$0x3FBB] =	sst s0  }
0x18: {  	s0 =	sld [smem:$0x3F9E];
	_ =	swait.ge [sflag:s4], $0x0  }
0x19: {  	s7 =	sld [smem:$0x3F9F]  }
0x1a: {  	s8 =	sadd.s32 $0xFFFFE003, lr  }
0x1b: {  	s9 =	sadd.s32 $0xFFFFFEF7, lr;
	s5 =	simm.s32 $0xFFFFFFFF;
	p2 =	slt.u32 s8, $0xFFFFF086  }
0x1c: {  	p1 =	slt.u32 s9, $0xF7A;
	s5 =	simm.s32 @!p2 $0x0  }
0x1d: {  	s5 =	simm.s32 @p1 $0x1;
	p0 =	seq.s32 s7, s2  }
0x1e: {  	s7 =	smul.u32 @!p0 $0xF7A, s2;
	p2 =	seq.s32 @!p0 s5, $0x0  }
0x1f: {  	s9 =	smul.u32 $0xF7A, s1;
	s8 =	simm.s32 @!p0 $0x1BF5;
	p2 =	por !p2, p0  }
0x20: {  	[sflag:s8] =	ssyncset.s32 @!p0 $0xFFFFF086;
	s6 =	sadd.s32 @!p0 s3, s7;
	s7 =	simm.s32 @!p0 $0x108  }
0x21: {  	s3 =	sadd.s32 s3, s9;
	s6 =	sadd.s32 @!p0 $0x88, s6;
	s7 =	simm.s32 @p2 $0x1082  }
0x22: {  	[simem:s7], [sflag:s8] =	dma.local @!p0 [hbm:s6], $0xF7A  }
0x23: {  	s9 =	sor.u32 $0xD0000000, s2;
	s6 =	simm.s32 $0x108;
	_ =	swait.ge @!p0 [sflag:s8], $0x0  }
0x24: {  	s3 =	sadd.s32 $0x88, s3;
	s6 =	simm.s32 @!p1 $0x1082;
	[sflag:s4] =	ssyncset.s32 $0xFFFFF086  }
0x25: {  	[simem:s6], [sflag:s4] =	dma.local [hbm:s3], $0xF7A  }
0x26: {  	[smem:$0x3F9F] =	sst s1;
	(tag) =	ssettag s2;
	_ =	strace s9  }
0x27: {  	s1 =	sld [smem:$0x3FAF]  }
0x28: {  	s2 =	sld [smem:$0x3FB0]  }
0x29: {  	s4 =	sld [smem:$0x3FB2]  }
0x2a: {  	p0 =	seq.s32 s5, $0x0;
	s5 =	sld [smem:$0x3FB3]  }
0x2b: {  	s6 =	sld [smem:$0x3FB4]  }
0x2c: {  	s7 =	sld [smem:$0x3FB5]  }
0x2d: {  	s3 =	simm.s32 $0x108;
	s8 =	sld [smem:$0x3FB6]  }
0x2e: {  	s3 =	simm.s32 @!p0 $0x1082;
	s9 =	sld [smem:$0x3FB7]  }
0x2f: {  	lr =	sadd.s32 s0, s3;
	s0 =	sld [smem:$0x3FAE]  }
0x30: {  	s3 =	sld [smem:$0x3FB1]  }
0x31: {  	[smem:$0x3FBA] =	sst s10  }
0x32: {  	s10 =	sld [smem:$0x3FB8];
	_ =	sdelay $0x3  }
0x33: {  	p0 =	seq.s32 s10, $0x1;
	s10 =	sld [smem:$0x3FBA];
	_ =	sdelay $0x3  }
0x34: {  	[smem:$0x3FBA] =	sst s10  }
0x35: {  	s10 =	sld [smem:$0x3FB9];
	_ =	sdelay $0x3  }
0x36: {  	p1 =	seq.s32 s10, $0x1;
	s10 =	sld [smem:$0x3FBA];
	_ =	sdelay $0x3  }
0x37: {  	[smem:$0x3FBA] =	sst s10  }
0x38: {  	s10 =	sld [smem:$0x3FBB]  }
0x39: {  	_ = 	snop;
	(pc) =	sbr.ind lr, $3  }
0x3a: {  	_ = 	snop  }
0x3b: {  	_ = 	snop  }
0x3c: {  	p2 =	seq.s32 s10, $0x1;
	s10 =	sld [smem:$0x3FBA]  }
0x3d: {  	_ =	shalt  }
0x3e: {  	_ =	shalt  }
0x3f: {  	_ =	shalt  }
0x40: {  	_ =	shalt  }
0x41: {  	_ =	shalt  }
0x42: {  	_ =	shalt  }
0x43: {  	_ =	shalt  }
0x44: {  	_ =	shalt  }
0x45: {  	_ =	shalt  }
0x46: {  	_ =	shalt  }
0x47: {  	_ =	shalt  }
0x48: {  	_ =	shalt  }
0x49: {  	_ =	shalt  }
0x4a: {  	_ =	shalt  }
0x4b: {  	_ =	shalt  }
0x4c: {  	_ =	shalt  }
0x4d: {  	_ =	shalt  }
0x4e: {  	_ =	shalt  }
0x4f: {  	_ =	shalt  }
0x50: {  	_ =	shalt  }
0x51: {  	_ =	shalt  }
0x52: {  	_ =	shalt  }
0x53: {  	_ =	shalt  }
0x54: {  	_ =	shalt  }
0x55: {  	_ =	shalt  }
0x56: {  	_ =	shalt  }
0x57: {  	_ =	shalt  }
0x58: {  	_ =	shalt  }
0x59: {  	_ =	shalt  }
0x5a: {  	_ =	shalt  }
0x5b: {  	_ =	shalt  }
0x5c: {  	_ =	shalt  }
0x5d: {  	_ =	shalt  }
0x5e: {  	_ =	shalt  }
0x5f: {  	_ =	shalt  }
0x60: {  	_ =	shalt  }
0x61: {  	_ =	shalt  }
0x62: {  	_ =	shalt  }
0x63: {  	_ =	shalt  }
0x64: {  	_ =	shalt  }
0x65: {  	_ =	shalt  }
0x66: {  	_ =	shalt  }
0x67: {  	_ =	shalt  }
0x68: {  	_ =	shalt  }
0x69: {  	_ =	shalt  }
0x6a: {  	_ =	shalt  }
0x6b: {  	_ =	shalt  }
0x6c: {  	_ =	shalt  }
0x6d: {  	_ =	shalt  }
0x6e: {  	_ =	shalt  }
0x6f: {  	_ =	shalt  }
0x70: {  	_ =	shalt  }
0x71: {  	_ =	shalt  }
0x72: {  	_ =	shalt  }
0x73: {  	_ =	shalt  }
0x74: {  	_ =	shalt  }
0x75: {  	_ =	shalt  }
0x76: {  	_ =	shalt  }
0x77: {  	_ =	shalt  }
0x78: {  	_ =	shalt  }
0x79: {  	_ =	shalt  }
0x7a: {  	_ =	shalt  }
0x7b: {  	_ =	shalt  }
0x7c: {  	_ =	shalt  }
0x7d: {  	_ =	shalt  }
0x7e: {  	_ =	shalt  }
0x7f: {  	_ =	shalt  }
0x80: {  	_ =	shalt  }
0x81: {  	_ =	shalt  }
0x82: {  	_ =	shalt  }
0x83: {  	_ =	shalt  }
0x84: {  	_ =	shalt  }
0x85: {  	_ =	shalt  }
0x86: {  	_ =	shalt  }
0x87: {  	_ =	shalt  }
.Lfunc_end0:
.L_simem_size_0:
called_computation_lowered:
.L_overlay_start_0:
0x88: {  	s2 =	sld [smem:$0x3FD9]  }
0x89: {  	s3 =	sld [smem:$0x3FFE];
	_ =	sdelay $0x1  }
0x8a: {  	s1 =	srdreg.scid  }
0x8b: {  	s0 =	sand.u32 $0x1, s1  }
0x8c: {  	s17 =	sshll.u32 s0, $0xA;
	s2 =	sadd.s32 s3, s2  }
0x8d: {  	s2 =	sadd.s32 s2, s17  }
0x8e: {  	[smem:$0x3FC6] =	sst s2  }
0x8f: {  	_ = 	snop  }
0x90: {  	s2 =	sld [smem:$0x3FD0];
	(tm) =	ssettm $0x1  }
0x91: {  	s18 =	sld [smem:$0x3FFB];
	_ =	sdelay $0x3  }
0x92: {  	_ =	strace s18  }
0x93: {  	s3 =	sld [smem:$0x3FFC];
	_ =	sdelay $0x3  }
0x94: {  	_ =	strace s3  }
0x95: {  	s3 =	sld [smem:$0x3FFD];
	_ =	sdelay $0x3  }
0x96: {  	_ =	strace s3  }
0x97: {  	_ =	strace $0x8FFFFFFF  }
0x98: {  	s19 =	sld [smem:$0x3FDB];
	_ =	sdelay $0x1  }
0x99: {  	s4 =	simm.s32 $_scs_section_size  }
0x9a: {  	s5 =	simm.s32 $_size__tile_overlayer_lowered;
	s6 =	simm.s32 $_tile_overlayer_lowered  }
0x9b: {  	s22 =	simm.s32 $0x1BFF;
	s21 =	sshll.u32 s6, $0x1;
	s3 =	sadd.s32 s4, s19  }
0x9c: {  	s7 =	simm.s32 $0x0;
	s20 =	sshll.u32 s5, $0x1;
	s5 =	sadd.s32 s21, s3  }
0x9d: {  	[timem:s7], [sflag:s22] =	dma.local [hbm:s5], s20  }
0x9e: {  	_ =	swait.ge [sflag:s22], s20  }
0x9f: {  	s4 =	ssub.s32 $0x0, s20;
	[sflag:s22] =	ssyncset.done $0x0  }
0xa0: {  	[sflag:s22] =	ssyncadd.s32 s4;
	_ =	sdelay $0x1  }
0xa1: {  	s23 =	simm.s32 $0x1B8B  }
0xa2: {  	_ =	swait.ge [sflag:s23], $0x1  }
0xa3: {  	[sflag:s23] =	ssyncset.done $0x0  }
0xa4: {  	s25 =	simm.s32 $0x1B8E;
	s24 =	sld [smem:$0x3FFE];
	[sflag:s23] =	ssyncadd.s32 $0xFFFFFFFF  }
0xa5: {  	s26 =	simm.s32 $execute0_lowered;
	[smem:$0x3FD2] =	sst s25  }
0xa6: {  	s5 =	sshll.u32 s26, $0x1;
	_ =	strace $0x80000046;
	[dreg:$0x1] =	wrdreg $0xFFFFFFFF  }
0xa7: {  	s28 =	simm.s32 $_size_execute0_lowered;
	s3 =	sadd.s32 s3, s5;
	[dreg:$0x0] =	wrdreg $0x0  }
0xa8: {  	s5 =	sshll.u32 s28, $0x1;
	[dreg:$0x2] =	wrdreg s3  }
0xa9: {  	[dreg:$0x3] =	wrdreg s5  }
0xaa: {  	[dreg:$0x4] =	wrdreg $0xC0  }
0xab: {  	_ =	task [dreg:s7], $0x5FFFF  }
0xac: {  	[dreg:$0x1] =	wrdreg $0xFFFFFFFF  }
0xad: {  	[dreg:$0x0] =	wrdreg $0x60  }
0xae: {  	[dreg:$0x2] =	wrdreg s2  }
0xaf: {  	[dreg:$0x3] =	wrdreg s24  }
0xb0: {  	[dreg:$0x4] =	wrdreg $0x9  }
0xb1: {  	_ =	task.clear_ibuf [dreg:s7], $0x5FFFF;
	_ =	strace $0x90000046  }
0xb2: {  	s29 =	simm.s32 $0x9;
	_ =	strace $0x80000048  }
0xb3: {  	_ =	swait.ge [sflag:s29], $0x1  }
0xb4: {  	[sflag:s29] =	ssyncadd.s32 $0xFFFFFFFF  }
0xb5: {  	_ =	strace $0x90000048  }
0xb6: {  	_ =	sfence  }
0xb7: {  	s30 =	sld [smem:$0x0];
	_ =	sdelay $0x2  }
0xb8: {  	s31 =	sshll.u32 s1, $0xD;
	s1 =	sshrl.u32 s1, $0x2  }
0xb9: {  	s3 =	sand.u32 $0x4000, s31;
	s1 =	sadd.s32 s1, s30  }
0xba: {  	s0 =	sor.u32 s3, s0;
	s1 =	sshll.u32 s1, $0x11  }
0xbb: {  	s0 =	sor.u32 s1, s0  }
0xbc: {  	s0 =	sadd.s32 $0x8F2B, s0  }
0xbd: {  	[sflag:s0] =	ssyncadd.remote.s32 $0x1  }
0xbe: {  	_ =	sfence.sel $0xFFFF  }
0xbf: {  	[dreg:$0x0] =	wrdreg $0xFFFFFFFF;
	(pc) =	sbr.abs _section_cstart, $3  }
0xc0: {  	[dreg:$0x1] =	wrdreg $0xFFFFFFFF  }
0xc1: {  	_ =	task.clear_ibuf [dreg:s7], $0x2FFFF;
	_ =	strace $0x9FFFFFFF  }
0xc2: {  	(tm) =	ssettm $0x7FFFFFFF  }
0xc3: {  	_ =	shalt  }
tec
execute0_lowered:
.L_overlay_start_1:
0x0: {  	(tag) =	ssettag $0x1  }
0x1: {  	s0 =	srdreg.scid  }
0x2: {  	s3 =	sand.u32 $0x1, s0;
	s0 =	stileid.u32  }
0x3: {  	s5 =	sor.u32 s0, s3  }
0x4: {  	p0 =	sne.s32 s5, $0x0  }
.Ltmp0:
0x5: {  	_ = 	snop;
	(pc) =	sbr.rel @p0 .LBB2_3-.Ltmp0, $4  }
0x6: {  	_ = 	snop  }
0x7: {  	s2 =	rddreg [dreg:$0x0]  }
0x8: {  	s4 =	rddreg [dreg:$0x1]  }
0x9: {  	s1 =	rddreg [dreg:$0x2];
	_ =	strace $0x80000047  }
0xa: {  	s5 =	ssub.s32 $0x2, s3;
	s3 =	sadd.s32 $0x600, s4  }
0xb: {  	s4 =	sadd.s32 $0x800, s4;
	s7 =	simm.s32 $0x1;
	s6 =	sshrl.u32 s5, $0x1  }
0xc: {  	s8 =	simm.s32 $0x200;
	v0 =	vimm.f32 $0.0e+00;
	s5 =	ssub.s32 s5, s6;
	s6 =	simm.s32 $0x0  }
.LBB2_2:
0xd: {  	[tilespmem:s6], [sflag:$0x1] =	stream.linear.gather [hbm4b:s3+s6], $0x200, $0x38;
	[tilespmem:$0x1200] =	vst v63  }
0xe: {  	_ =	swait.ge [sflag:s7], $0x200  }
0xf: {  	[sflag:s7] =	ssyncset.done $0x0  }
0x10: {  	[sflag:s7] =	ssyncadd.s32 $0xFFFFFE00  }
0x11: {  	[tilespmem:s8], [sflag:$0x1] =	stream.linear.gather [hbm4b:s2+s6], $0x1000, $0x38;
	[tilespmem:$0x1200] =	vst v63  }
0x12: {  	_ =	swait.ge [sflag:s7], $0x1000  }
0x13: {  	[sflag:s7] =	ssyncset.done $0x0  }
0x14: {  	[sflag:s7] =	ssyncadd.s32 $0xFFFFF000  }
0x15: {  	v1 =	vld [tilespmem:$0x0];
	_ =	sdelay $0x7  }
0x16: {  	[tilespmem:v1+s8+$0x0] =	vst.idx.msk $0xffff, v0  }
0x17: {  	v1 =	vld [tilespmem:$0x10];
	_ =	sdelay $0x7  }
0x18: {  	[tilespmem:v1+s8+$0x0] =	vst.idx.msk $0xffff, v0  }
0x19: {  	v1 =	vld [tilespmem:$0x20];
	_ =	sdelay $0x7  }
0x1a: {  	[tilespmem:v1+s8+$0x0] =	vst.idx.msk $0xffff, v0  }
0x1b: {  	v1 =	vld [tilespmem:$0x30];
	_ =	sdelay $0x7  }
0x1c: {  	[tilespmem:v1+s8+$0x0] =	vst.idx.msk $0xffff, v0  }
0x1d: {  	v1 =	vld [tilespmem:$0x40];
	_ =	sdelay $0x7  }
0x1e: {  	[tilespmem:v1+s8+$0x0] =	vst.idx.msk $0xffff, v0  }
0x1f: {  	v1 =	vld [tilespmem:$0x50];
	_ =	sdelay $0x7  }
0x20: {  	[tilespmem:v1+s8+$0x0] =	vst.idx.msk $0xffff, v0  }
0x21: {  	v1 =	vld [tilespmem:$0x60];
	_ =	sdelay $0x7  }
0x22: {  	[tilespmem:v1+s8+$0x0] =	vst.idx.msk $0xffff, v0  }
0x23: {  	v1 =	vld [tilespmem:$0x70];
	_ =	sdelay $0x7  }
0x24: {  	[tilespmem:v1+s8+$0x0] =	vst.idx.msk $0xffff, v0  }
0x25: {  	v1 =	vld [tilespmem:$0x80];
	_ =	sdelay $0x7  }
0x26: {  	[tilespmem:v1+s8+$0x0] =	vst.idx.msk $0xffff, v0  }
0x27: {  	v1 =	vld [tilespmem:$0x90];
	_ =	sdelay $0x7  }
0x28: {  	[tilespmem:v1+s8+$0x0] =	vst.idx.msk $0xffff, v0  }
0x29: {  	v1 =	vld [tilespmem:$0xA0];
	_ =	sdelay $0x7  }
0x2a: {  	[tilespmem:v1+s8+$0x0] =	vst.idx.msk $0xffff, v0  }
0x2b: {  	v1 =	vld [tilespmem:$0xB0];
	_ =	sdelay $0x7  }
0x2c: {  	[tilespmem:v1+s8+$0x0] =	vst.idx.msk $0xffff, v0  }
0x2d: {  	v1 =	vld [tilespmem:$0xC0];
	_ =	sdelay $0x7  }
0x2e: {  	[tilespmem:v1+s8+$0x0] =	vst.idx.msk $0xffff, v0  }
0x2f: {  	v1 =	vld [tilespmem:$0xD0];
	_ =	sdelay $0x7  }
0x30: {  	[tilespmem:v1+s8+$0x0] =	vst.idx.msk $0xffff, v0  }
0x31: {  	v1 =	vld [tilespmem:$0xE0];
	_ =	sdelay $0x7  }
0x32: {  	[tilespmem:v1+s8+$0x0] =	vst.idx.msk $0xffff, v0  }
0x33: {  	v1 =	vld [tilespmem:$0xF0];
	_ =	sdelay $0x7  }
0x34: {  	[tilespmem:v1+s8+$0x0] =	vst.idx.msk $0xffff, v0  }
0x35: {  	v1 =	vld [tilespmem:$0x100];
	_ =	sdelay $0x7  }
0x36: {  	[tilespmem:v1+s8+$0x0] =	vst.idx.msk $0xffff, v0  }
0x37: {  	v1 =	vld [tilespmem:$0x110];
	_ =	sdelay $0x7  }
0x38: {  	[tilespmem:v1+s8+$0x0] =	vst.idx.msk $0xffff, v0  }
0x39: {  	v1 =	vld [tilespmem:$0x120];
	_ =	sdelay $0x7  }
0x3a: {  	[tilespmem:v1+s8+$0x0] =	vst.idx.msk $0xffff, v0  }
0x3b: {  	v1 =	vld [tilespmem:$0x130];
	_ =	sdelay $0x7  }
0x3c: {  	[tilespmem:v1+s8+$0x0] =	vst.idx.msk $0xffff, v0  }
0x3d: {  	v1 =	vld [tilespmem:$0x140];
	_ =	sdelay $0x7  }
0x3e: {  	[tilespmem:v1+s8+$0x0] =	vst.idx.msk $0xffff, v0  }
0x3f: {  	v1 =	vld [tilespmem:$0x150];
	_ =	sdelay $0x7  }
0x40: {  	[tilespmem:v1+s8+$0x0] =	vst.idx.msk $0xffff, v0  }
0x41: {  	v1 =	vld [tilespmem:$0x160];
	_ =	sdelay $0x7  }
0x42: {  	[tilespmem:v1+s8+$0x0] =	vst.idx.msk $0xffff, v0  }
0x43: {  	v1 =	vld [tilespmem:$0x170];
	_ =	sdelay $0x7  }
0x44: {  	[tilespmem:v1+s8+$0x0] =	vst.idx.msk $0xffff, v0  }
0x45: {  	v1 =	vld [tilespmem:$0x180];
	_ =	sdelay $0x7  }
0x46: {  	[tilespmem:v1+s8+$0x0] =	vst.idx.msk $0xffff, v0  }
0x47: {  	v1 =	vld [tilespmem:$0x190];
	_ =	sdelay $0x6  }
0x48: {  	p0 =	sne.s32 s5, $0x1  }
.Ltmp1:
0x49: {  	[tilespmem:v1+s8+$0x0] =	vst.idx.msk $0xffff, v0;
	(pc) =	sbr.rel @p0 .LBB2_2-.Ltmp1, $4  }
0x4a: {  	[hbm4b:s4+s6] =	stream.linear.scatter [tilespmem:s8], [sflag:$0x1], $0x1000, $0x38;
	[tilespmem:$0x1200] =	vst v63  }
0x4b: {  	_ =	swait.ge [sflag:s7], $0x1000  }
0x4c: {  	[sflag:s7] =	ssyncset.done $0x0  }
0x4d: {  	s5 =	sadd.s32 $0xFFFFFFFF, s5;
	[sflag:s7] =	ssyncadd.s32 $0xFFFFF000  }
.LBB2_3:
0x4e: {  	_ =	sfence.sel $0x180000  }
0x4f: {  	[bflag:$0x0] =	sbarrier.arrive $0xFFFF  }
0x50: {  	p0 =	sne.s32 s0, $0x0;
	_ =	strace $0x90000047  }
0x51: {  	s0 =	sadd.s32 @!p0 $0x100000, s1;
	[bflag:$0x2] =	sbarrier.arrive $0xFFFF  }
0x52: {  	[sflag:s0] =	ssyncadd.tile.s32 @!p0 $0x1;
	_ =	shalt  }
.Lfunc_end2:
_tile_overlayer_lowered:
.L_overlay_start_2:
0x53: {  	(tag) =	ssettag $0x2  }
0x54: {  	s0 =	rddreg [dreg:$0x0];
	s2 =	stileid.u32  }
0x55: {  	s1 =	rddreg [dreg:$0x1];
	p0 =	sne.s32 s2, $0x0  }
0x56: {  	s3 =	rddreg [dreg:$0x2];
	[bflag:$0x3] =	sbarrier.arrive $0xFFFF;
	s2 =	simm.s32 @!p0 $0x1C01  }
0x57: {  	[timem:s3], [sflag:s2] =	dma.local @!p0 [hbm:s0], s1  }
0x58: {  	s0 =	simm.s32 @!p0 $0x1  }
0x59: {  	_ =	swait.ge @!p0 [sflag:s0], s1  }
0x5a: {  	s1 =	ssub.s32 @!p0 $0x0, s1;
	[sflag:s0] =	ssyncset.done @!p0 $0x0  }
0x5b: {  	[sflag:s0] =	ssyncadd.s32 @!p0 s1  }
0x5c: {  	[bflag:$0x3] =	sbarrier.arrive $0xFFFF  }
0x5d: {  	_ =	shalt  }

</sc_bundles>
